<compile_context>
chip_gen: v7x
topology: tpu7x:2x2x1
jax: 0.10.2.dev20260603
libtpu: 0.0.44.dev20260713+nightly
codegen_flags: <defaults>
</compile_context>

<pallas_src>
import functools

import jax
import jax.numpy as jnp
from jax import lax
from jax.experimental import pallas as pl
from jax.experimental.pallas import tpu as pltpu
from jax.experimental.pallas import tpu_sc as plsc

_B, _K, _D, _N = 128, 32, 256, 8192
_R = 512
_BPS = _R // _K
_STEPS = (_B * _K) // _R

_NTILES = 16
_EPT = (_B * _K) // _NTILES
_BINS_PT = _N // _NTILES


def _argmin_body(x_ref, c_ref, amin_ref, w_ref, c2_ref):
    @pl.when(pl.program_id(0) == 0)
    def _init():
        c = c_ref[...]
        c2_ref[...] = lax.dot_general(
            jnp.full((8, _D), 0.5, jnp.float32), c * c,
            (((1,), (1,)), ((), ())),
            preferred_element_type=jnp.float32)

    x = x_ref[...]
    cross = lax.dot_general(
        x, c_ref[...], (((1,), (1,)), ((), ())),
        preferred_element_type=jnp.float32)
    score = cross - c2_ref[0:1, :]
    maxs = jnp.max(score, axis=1, keepdims=True)
    colidx = lax.broadcasted_iota(jnp.int32, (_R, _N), 1)
    amin = jnp.min(jnp.where(score >= maxs, colidx, _N), axis=1)
    amin_ref[...] = amin[None, None, :]

    a3 = amin.reshape(_BPS, _K)
    eq = a3[:, :, None] == a3[:, None, :]
    jj = lax.broadcasted_iota(jnp.int32, (_BPS, _K, _K), 1)
    ii = lax.broadcasted_iota(jnp.int32, (_BPS, _K, _K), 2)
    dupf = jnp.max(jnp.where(eq & (ii < jj), 1.0, 0.0), axis=2)
    w_ref[...] = (1.0 - dupf).reshape(1, 1, _R)


def _tc_argmin(x, centers):
    return pl.pallas_call(
        _argmin_body,
        grid=(_STEPS,),
        in_specs=[
            pl.BlockSpec((_R, _D), lambda i: (i, 0)),
            pl.BlockSpec((_N, _D), lambda i: (0, 0)),
        ],
        out_specs=[
            pl.BlockSpec((1, 1, _R), lambda i: (i, 0, 0)),
            pl.BlockSpec((1, 1, _R), lambda i: (i, 0, 0)),
        ],
        out_shape=[
            jax.ShapeDtypeStruct((_STEPS, 1, _R), jnp.int32),
            jax.ShapeDtypeStruct((_STEPS, 1, _R), jnp.float32),
        ],
        scratch_shapes=[pltpu.VMEM((8, _N), jnp.float32)],
    )(x, centers)


def _sc_hist(amin, w, zeros):
    mesh = plsc.VectorSubcoreMesh(core_axis_name="c", subcore_axis_name="s")

    @functools.partial(
        pl.kernel, mesh=mesh,
        out_type=jax.ShapeDtypeStruct((_N,), jnp.float32),
        scratch_types=[
            pltpu.VMEM((_EPT,), jnp.int32),
            pltpu.VMEM((_EPT,), jnp.float32),
            pltpu.VMEM_SHARED((_N,), jnp.float32),
        ],
    )
    def k(amin_hbm, w_hbm, zeros_hbm, out_hbm, idx_v, w_v, hist_sh):
        cid = lax.axis_index("c")
        sid = lax.axis_index("s")

        @pl.when(cid == 0)
        def _core0():
            base = sid * _EPT
            pltpu.sync_copy(amin_hbm.at[pl.ds(base, _EPT)], idx_v)
            pltpu.sync_copy(w_hbm.at[pl.ds(base, _EPT)], w_v)
            bins = sid * _BINS_PT
            pltpu.sync_copy(zeros_hbm.at[pl.ds(bins, _BINS_PT)],
                            hist_sh.at[pl.ds(bins, _BINS_PT)])
            plsc.subcore_barrier()
            pltpu.sync_copy(w_v, hist_sh.at[idx_v], add=True)
            plsc.subcore_barrier()
            pltpu.sync_copy(hist_sh.at[pl.ds(bins, _BINS_PT)],
                            out_hbm.at[pl.ds(bins, _BINS_PT)])

    return k(amin, w, zeros)


def _entropy_body(h_ref, out_ref):
    prob = h_ref[...] / (_B * _K)
    ent = -jnp.sum(prob * jnp.log(prob + 1e-10))
    out_ref[...] = ent[None, None]


def _tc_entropy(hist):
    return pl.pallas_call(
        _entropy_body,
        in_specs=[pl.BlockSpec((64, 128), lambda: (0, 0))],
        out_specs=pl.BlockSpec((1, 1), lambda: (0, 0)),
        out_shape=jax.ShapeDtypeStruct((1, 1), jnp.float32),
    )(hist)


def kernel(selected_frames, cluster_centers):
    x = selected_frames.reshape(_B * _K, _D)
    amin, w = _tc_argmin(x, cluster_centers)
    zeros = jnp.zeros((_N,), jnp.float32)
    hist = _sc_hist(amin.reshape(_B * _K), w.reshape(_B * _K), zeros)
    out = _tc_entropy(hist.reshape(64, 128))
    return out[0, 0]

# --- scband reference (transcript-rebuilt; emitter-appended) ---
"""Pipeline reference for scband-cluster-loss-6511170421412 (READ-ONLY COPY).

The authoritative reference and input builder live on the scoring server;
editing this copy changes nothing except your own understanding.
"""

import jax, jax.numpy as jnp
import numpy as np


def setup_inputs(seed: int = 0) -> dict:
    key = jax.random.key(seed)
    k1, k2 = jax.random.split(key)
    selected_frames = jax.random.normal(k1, (128, 32, 256), dtype=jnp.float32)
    # learned parameter: cluster centers, sized per init_kwargs (n_clusters=8192, feature_dim=256)
    cluster_centers = jax.random.normal(k2, (8192, 256), dtype=jnp.float32)
    return {"selected_frames": selected_frames, "cluster_centers": cluster_centers}


def reference(selected_frames, cluster_centers):
    batch_size, k, d = selected_frames.shape
    n_clusters = cluster_centers.shape[0]
    # torch.cdist(p=2): pairwise Euclidean distances [B, k, n_clusters]
    x2 = jnp.sum(selected_frames * selected_frames, axis=-1, keepdims=True)  # [B, k, 1]
    c2 = jnp.sum(cluster_centers * cluster_centers, axis=-1)  # [K]
    cross = jnp.einsum('bkd,nd->bkn', selected_frames, cluster_centers)  # [B, k, K]
    sq = jnp.maximum(x2 + c2[None, None, :] - 2.0 * cross, 0.0)
    dists = jnp.sqrt(sq)
    assignments = jnp.argmin(dists, axis=-1)  # [B, k] int
    # coverage.scatter_(1, assignments, 1): set 1 at (b, assignments[b, j])
    coverage = jnp.zeros((batch_size, n_clusters), dtype=jnp.float32)
    coverage = coverage.at[jnp.arange(batch_size)[:, None], assignments].set(1.0)
    coverage = coverage.sum(axis=0)  # [K]
    prob = coverage / (batch_size * k)
    entropy = -jnp.sum(prob * jnp.log(prob + 1e-10))
    return entropy

if __name__ == "__main__":
    import jax
    _d = setup_inputs()
    print(jax.jit(kernel)(*tuple(_d.values())))

</pallas_src>

<mosaic_0001>
#map = affine_map<(d0, d1) -> (0)>
module attributes {stable_mosaic.version = 14 : i64} {
  func.func @k(%arg0: i32, %arg1: i32, %arg2: memref<4096xi32, #tpu.memory_space<hbm>>, %arg3: memref<4096xf32, #tpu.memory_space<hbm>>, %arg4: memref<8192xf32, #tpu.memory_space<hbm>>, %arg5: memref<8192xf32, #tpu.memory_space<hbm>>, %arg6: memref<256xi32, #tpu.memory_space<vmem>>, %arg7: memref<256xf32, #tpu.memory_space<vmem>>, %arg8: memref<8192xf32, #tpu.memory_space<vmem_shared>>) attributes {dimension_semantics = [#tpu.dimension_semantics<core_parallel>, #tpu.dimension_semantics<subcore_parallel>], iteration_bounds = array<i64: 2, 16>, scalar_prefetch = 0 : i64, scratch_operands = 3 : i64, tpu.core_type = #tpu.core_type<sc_vector_subcore>, window_params = [{transform_indices = #map}, {transform_indices = #map}, {transform_indices = #map}, {transform_indices = #map}]} {
    %eq3A = arith.constant 0 : i32
    %eq3A_0 = arith.cmpi eq, %arg0, %eq3A : i32
    %convert_element_type3A = arith.extui %eq3A_0 : i1 to i32
    %cond3A = arith.constant 0 : i32
    %cond3A_1 = arith.cmpi ne, %convert_element_type3A, %cond3A : i32
    scf.if %cond3A_1 {
      %mul3A = arith.constant 256 : i32
      %mul3A_2 = arith.muli %arg1, %mul3A : i32
      "tpu.region"() ({
        %run_scoped3A = tpu.sem_alloc : memref<!tpu.dma_semaphore, #tpu.memory_space<semaphore_mem>>
        %dma_start3A = tpu.memref_slice %arg2[%mul3A_2] : memref<4096xi32, #tpu.memory_space<hbm>> -> memref<256xi32, #tpu.memory_space<hbm>>
        %dma_start3A_6 = tpu.memref_slice %arg2[%mul3A_2] : memref<4096xi32, #tpu.memory_space<hbm>> -> memref<256xi32, #tpu.memory_space<hbm>>
        tpu.enqueue_dma source(%dma_start3A_6 : memref<256xi32, #tpu.memory_space<hbm>>) target(%arg6 : memref<256xi32, #tpu.memory_space<vmem>>) target_semaphore(%run_scoped3A : memref<!tpu.dma_semaphore, #tpu.memory_space<semaphore_mem>>)
        %dma_wait3A = tpu.memref_slice %arg2[%mul3A_2] : memref<4096xi32, #tpu.memory_space<hbm>> -> memref<256xi32, #tpu.memory_space<hbm>>
        %dma_wait3A_7 = tpu.memref_slice %arg2[%mul3A_2] : memref<4096xi32, #tpu.memory_space<hbm>> -> memref<256xi32, #tpu.memory_space<hbm>>
        tpu.wait_dma2 semaphore(%run_scoped3A : memref<!tpu.dma_semaphore, #tpu.memory_space<semaphore_mem>>) src(%dma_wait3A_7 : memref<256xi32, #tpu.memory_space<hbm>>) dst(%arg6 : memref<256xi32, #tpu.memory_space<vmem>>)
        tpu.yield
      }) : () -> ()
      "tpu.region"() ({
        %run_scoped3A = tpu.sem_alloc : memref<!tpu.dma_semaphore, #tpu.memory_space<semaphore_mem>>
        %dma_start3A = tpu.memref_slice %arg3[%mul3A_2] : memref<4096xf32, #tpu.memory_space<hbm>> -> memref<256xf32, #tpu.memory_space<hbm>>
        %dma_start3A_6 = tpu.memref_slice %arg3[%mul3A_2] : memref<4096xf32, #tpu.memory_space<hbm>> -> memref<256xf32, #tpu.memory_space<hbm>>
        tpu.enqueue_dma source(%dma_start3A_6 : memref<256xf32, #tpu.memory_space<hbm>>) target(%arg7 : memref<256xf32, #tpu.memory_space<vmem>>) target_semaphore(%run_scoped3A : memref<!tpu.dma_semaphore, #tpu.memory_space<semaphore_mem>>)
        %dma_wait3A = tpu.memref_slice %arg3[%mul3A_2] : memref<4096xf32, #tpu.memory_space<hbm>> -> memref<256xf32, #tpu.memory_space<hbm>>
        %dma_wait3A_7 = tpu.memref_slice %arg3[%mul3A_2] : memref<4096xf32, #tpu.memory_space<hbm>> -> memref<256xf32, #tpu.memory_space<hbm>>
        tpu.wait_dma2 semaphore(%run_scoped3A : memref<!tpu.dma_semaphore, #tpu.memory_space<semaphore_mem>>) src(%dma_wait3A_7 : memref<256xf32, #tpu.memory_space<hbm>>) dst(%arg7 : memref<256xf32, #tpu.memory_space<vmem>>)
        tpu.yield
      }) : () -> ()
      %mul3A_3 = arith.constant 512 : i32
      %mul3A_4 = arith.muli %arg1, %mul3A_3 : i32
      "tpu.region"() ({
        %run_scoped3A = tpu.sem_alloc : memref<!tpu.dma_semaphore, #tpu.memory_space<semaphore_mem>>
        %dma_start3A = tpu.memref_slice %arg8[%mul3A_4] : memref<8192xf32, #tpu.memory_space<vmem_shared>> -> memref<512xf32, #tpu.memory_space<vmem_shared>>
        %dma_start3A_6 = tpu.memref_slice %arg4[%mul3A_4] : memref<8192xf32, #tpu.memory_space<hbm>> -> memref<512xf32, #tpu.memory_space<hbm>>
        tpu.enqueue_dma source(%dma_start3A_6 : memref<512xf32, #tpu.memory_space<hbm>>) target(%dma_start3A : memref<512xf32, #tpu.memory_space<vmem_shared>>) target_semaphore(%run_scoped3A : memref<!tpu.dma_semaphore, #tpu.memory_space<semaphore_mem>>)
        %dma_wait3A = tpu.memref_slice %arg8[%mul3A_4] : memref<8192xf32, #tpu.memory_space<vmem_shared>> -> memref<512xf32, #tpu.memory_space<vmem_shared>>
        %dma_wait3A_7 = tpu.memref_slice %arg4[%mul3A_4] : memref<8192xf32, #tpu.memory_space<hbm>> -> memref<512xf32, #tpu.memory_space<hbm>>
        tpu.wait_dma2 semaphore(%run_scoped3A : memref<!tpu.dma_semaphore, #tpu.memory_space<semaphore_mem>>) src(%dma_wait3A_7 : memref<512xf32, #tpu.memory_space<hbm>>) dst(%dma_wait3A : memref<512xf32, #tpu.memory_space<vmem_shared>>)
        tpu.yield
      }) : () -> ()
      %barrier3A = arith.constant 0 : index
      tpu.barrier barrier_id(%barrier3A)
      "tpu.region"() ({
        %run_scoped3A = tpu.sem_alloc : memref<!tpu.dma_semaphore, #tpu.memory_space<semaphore_mem>>
        %dma_start3A = arith.constant 0 : i32
        %dma_start3A_6 = tpu.memref_slice %arg8[%dma_start3A] : memref<8192xf32, #tpu.memory_space<vmem_shared>> -> memref<8192xf32, #tpu.memory_space<vmem_shared>>
        tpu.enqueue_indirect_dma source(%arg7 : memref<256xf32, #tpu.memory_space<vmem>>) target(%dma_start3A_6 : memref<8192xf32, #tpu.memory_space<vmem_shared>>) offsets(%arg6 : memref<256xi32, #tpu.memory_space<vmem>>) semaphore(%run_scoped3A : memref<!tpu.dma_semaphore, #tpu.memory_space<semaphore_mem>>) {add = true}
        %dma_wait3A = arith.constant 0 : i32
        %dma_wait3A_7 = tpu.memref_slice %arg8[%dma_wait3A] : memref<8192xf32, #tpu.memory_space<vmem_shared>> -> memref<8192xf32, #tpu.memory_space<vmem_shared>>
        tpu.wait_indirect_dma semaphore(%run_scoped3A : memref<!tpu.dma_semaphore, #tpu.memory_space<semaphore_mem>>) src(%arg7 : memref<256xf32, #tpu.memory_space<vmem>>) dst(%dma_wait3A_7 : memref<8192xf32, #tpu.memory_space<vmem_shared>>)
        tpu.yield
      }) : () -> ()
      %barrier3A_5 = arith.constant 0 : index
      tpu.barrier barrier_id(%barrier3A_5)
      "tpu.region"() ({
        %run_scoped3A = tpu.sem_alloc : memref<!tpu.dma_semaphore, #tpu.memory_space<semaphore_mem>>
        %dma_start3A = tpu.memref_slice %arg5[%mul3A_4] : memref<8192xf32, #tpu.memory_space<hbm>> -> memref<512xf32, #tpu.memory_space<hbm>>
        %dma_start3A_6 = tpu.memref_slice %arg8[%mul3A_4] : memref<8192xf32, #tpu.memory_space<vmem_shared>> -> memref<512xf32, #tpu.memory_space<vmem_shared>>
        tpu.enqueue_dma source(%dma_start3A_6 : memref<512xf32, #tpu.memory_space<vmem_shared>>) target(%dma_start3A : memref<512xf32, #tpu.memory_space<hbm>>) target_semaphore(%run_scoped3A : memref<!tpu.dma_semaphore, #tpu.memory_space<semaphore_mem>>)
        %dma_wait3A = tpu.memref_slice %arg5[%mul3A_4] : memref<8192xf32, #tpu.memory_space<hbm>> -> memref<512xf32, #tpu.memory_space<hbm>>
        %dma_wait3A_7 = tpu.memref_slice %arg8[%mul3A_4] : memref<8192xf32, #tpu.memory_space<vmem_shared>> -> memref<512xf32, #tpu.memory_space<vmem_shared>>
        tpu.wait_dma2 semaphore(%run_scoped3A : memref<!tpu.dma_semaphore, #tpu.memory_space<semaphore_mem>>) src(%dma_wait3A_7 : memref<512xf32, #tpu.memory_space<vmem_shared>>) dst(%dma_wait3A : memref<512xf32, #tpu.memory_space<hbm>>)
        tpu.yield
      }) : () -> ()
    } else {
    }
    return
  }
}

module attributes {stable_mosaic.version = 14 : i64} {
  func.func @_entropy_body(%arg0: memref<64x128xf32, #tpu.memory_space<vmem>>, %arg1: memref<1x1xf32, #tpu.memory_space<vmem>>) attributes {dimension_semantics = [], scalar_prefetch = 0 : i64, scratch_operands = 0 : i64, tpu.core_type = #tpu.core_type<tc>} {
    %get3A = arith.constant 0 : index
    %get3A_0 = arith.constant 0 : index
    %get3A_1 = vector.load %arg0[%get3A, %get3A_0] : memref<64x128xf32, #tpu.memory_space<vmem>>, vector<64x128xf32>
    %div3A = arith.constant 4.096000e+03 : f32
    %div3A_2 = vector.broadcast %div3A : f32 to vector<64x128xf32>
    %div3A_3 = arith.divf %get3A_1, %div3A_2 : vector<64x128xf32>
    %add3A = arith.constant 1.000000e-10 : f32
    %add3A_4 = vector.broadcast %add3A : f32 to vector<64x128xf32>
    %add3A_5 = arith.addf %div3A_3, %add3A_4 : vector<64x128xf32>
    %log3A = math.log %add3A_5 : vector<64x128xf32>
    %mul3A = arith.mulf %div3A_3, %log3A : vector<64x128xf32>
    %reduce_sum3A = vector.shape_cast %mul3A : vector<64x128xf32> to vector<1x64x128xf32>
    %reduce_sum3A_6 = arith.constant dense<0.000000e+00> : vector<1xf32>
    %reduce_sum3A_7 = vector.multi_reduction <add>, %reduce_sum3A, %reduce_sum3A_6 [1, 2] : vector<1x64x128xf32> to vector<1xf32>
    %reduce_sum3A_8 = vector.shape_cast %reduce_sum3A_7 : vector<1xf32> to vector<1x1x1xf32>
    %reduce_sum3A_9 = vector.extract %reduce_sum3A_8[0, 0, 0] : f32 from vector<1x1x1xf32>
    %neg3A = arith.constant 0.000000e+00 : f32
    %neg3A_10 = arith.subf %neg3A, %reduce_sum3A_9 : f32
    %broadcast_in_dim3A = vector.broadcast %neg3A_10 : f32 to vector<1x1xf32>
    %swap3A = arith.constant 0 : index
    %swap3A_11 = arith.constant 0 : index
    %swap3A_12 = vector.load %arg1[%swap3A, %swap3A_11] : memref<1x1xf32, #tpu.memory_space<vmem>>, vector<1x1xf32>
    tpu.vector_store %arg1[%swap3A, %swap3A_11], %broadcast_in_dim3A {strides = array<i32>} : memref<1x1xf32, #tpu.memory_space<vmem>>, vector<1x1xf32>,
    return
  }
}

module attributes {stable_mosaic.version = 14 : i64} {
  func.func @_argmin_body(%arg0: i32, %arg1: memref<512x256xf32, #tpu.memory_space<vmem>>, %arg2: memref<8192x256xf32, #tpu.memory_space<vmem>>, %arg3: memref<1x1x512xi32, #tpu.memory_space<vmem>>, %arg4: memref<1x1x512xf32, #tpu.memory_space<vmem>>, %arg5: memref<8x8192xf32, #tpu.memory_space<vmem>>) attributes {dimension_semantics = [#tpu.dimension_semantics<arbitrary>], iteration_bounds = array<i64: 8>, scalar_prefetch = 0 : i64, scratch_operands = 1 : i64, tpu.core_type = #tpu.core_type<tc>, window_params = [{transform_indices = @transform_0, window_bounds = array<i64: 512, 256>}, {pipeline_mode = #tpu.pipeline_mode<synchronous>, transform_indices = @transform_1, window_bounds = array<i64: 8192, 256>}, {transform_indices = @transform_2, window_bounds = array<i64: 1, 1, 512>}, {transform_indices = @transform_3, window_bounds = array<i64: 1, 1, 512>}]} {
    %eq3A = arith.constant 0 : i32
    %eq3A_0 = arith.cmpi eq, %arg0, %eq3A : i32
    %convert_element_type3A = arith.extui %eq3A_0 : i1 to i32
    %cond3A = arith.constant 0 : i32
    %cond3A_1 = arith.cmpi ne, %convert_element_type3A, %cond3A : i32
    scf.if %cond3A_1 {
      %get3A_42 = arith.constant 0 : index
      %get3A_43 = arith.constant 0 : index
      %get3A_44 = vector.load %arg2[%get3A_42, %get3A_43] : memref<8192x256xf32, #tpu.memory_space<vmem>>, vector<8192x256xf32>
      %broadcast_in_dim3A_45 = arith.constant 5.000000e-01 : f32
      %broadcast_in_dim3A_46 = vector.broadcast %broadcast_in_dim3A_45 : f32 to vector<8x256xf32>
      %mul3A = arith.mulf %get3A_44, %get3A_44 : vector<8192x256xf32>
      %dot_general3A_47 = arith.constant dense<0.000000e+00> : vector<8x8192xf32>
      %dot_general3A_48 = tpu.matmul %broadcast_in_dim3A_46, %mul3A, %dot_general3A_47 {dimension_numbers = #tpu.dot_dimension_numbers<[1], [1], [0], [0], [0, 0, 1, 0], [], []>, transpose_lhs_hint = false} : vector<8x256xf32>, vector<8192x256xf32>, vector<8x8192xf32> -> vector<8x8192xf32>
      %swap3A_49 = arith.constant 0 : index
      %swap3A_50 = arith.constant 0 : index
      %swap3A_51 = vector.load %arg5[%swap3A_49, %swap3A_50] : memref<8x8192xf32, #tpu.memory_space<vmem>>, vector<8x8192xf32>
      tpu.vector_store %arg5[%swap3A_49, %swap3A_50], %dot_general3A_48 {strides = array<i32>} : memref<8x8192xf32, #tpu.memory_space<vmem>>, vector<8x8192xf32>,
    } else {
    }
    %get3A = arith.constant 0 : index
    %get3A_2 = arith.constant 0 : index
    %get3A_3 = vector.load %arg1[%get3A, %get3A_2] : memref<512x256xf32, #tpu.memory_space<vmem>>, vector<512x256xf32>
    %get3A_4 = arith.constant 0 : index
    %get3A_5 = arith.constant 0 : index
    %get3A_6 = vector.load %arg2[%get3A_4, %get3A_5] : memref<8192x256xf32, #tpu.memory_space<vmem>>, vector<8192x256xf32>
    %dot_general3A = arith.constant dense<0.000000e+00> : vector<512x8192xf32>
    %dot_general3A_7 = tpu.matmul %get3A_3, %get3A_6, %dot_general3A {dimension_numbers = #tpu.dot_dimension_numbers<[1], [1], [0], [0], [0, 0, 1, 0], [], []>, transpose_lhs_hint = false} : vector<512x256xf32>, vector<8192x256xf32>, vector<512x8192xf32> -> vector<512x8192xf32>
    %get3A_8 = arith.constant 0 : index
    %get3A_9 = arith.constant 0 : index
    %get3A_10 = vector.load %arg5[%get3A_8, %get3A_9] : memref<8x8192xf32, #tpu.memory_space<vmem>>, vector<1x8192xf32>
    %sub3A = vector.broadcast %get3A_10 : vector<1x8192xf32> to vector<512x8192xf32>
    %sub3A_11 = arith.subf %dot_general3A_7, %sub3A : vector<512x8192xf32>
    %reduce_max3A = arith.constant dense<0xFF800000> : vector<512xf32>
    %reduce_max3A_12 = vector.multi_reduction <maximumf>, %sub3A_11, %reduce_max3A [1] : vector<512x8192xf32> to vector<512xf32>
    %broadcast_in_dim3A = vector.shape_cast %reduce_max3A_12 : vector<512xf32> to vector<512x1xf32>
    %iota3A = tpu.iota {dimensions = array<i32: 1>} : vector<512x8192xi32>
    %ge3A = vector.broadcast %broadcast_in_dim3A : vector<512x1xf32> to vector<512x8192xf32>
    %ge3A_13 = arith.cmpf oge, %sub3A_11, %ge3A : vector<512x8192xf32>
    %jit3A = arith.constant 8192 : i32
    %broadcast_in_dim3A_14 = vector.broadcast %jit3A : i32 to vector<512x8192xi32>
    %select_n3A = arith.select %ge3A_13, %iota3A, %broadcast_in_dim3A_14 : vector<512x8192xi1>, vector<512x8192xi32>
    %reduce_min3A = arith.constant dense<2147483647> : vector<512xi32>
    %reduce_min3A_15 = vector.multi_reduction <minsi>, %select_n3A, %reduce_min3A [1] : vector<512x8192xi32> to vector<512xi32>
    %broadcast_in_dim3A_16 = vector.shape_cast %reduce_min3A_15 : vector<512xi32> to vector<1x1x512xi32>
    %swap3A = arith.constant 0 : index
    %swap3A_17 = arith.constant 0 : index
    %swap3A_18 = arith.constant 0 : index
    %swap3A_19 = vector.load %arg3[%swap3A, %swap3A_17, %swap3A_18] : memref<1x1x512xi32, #tpu.memory_space<vmem>>, vector<1x1x512xi32>
    tpu.vector_store %arg3[%swap3A, %swap3A_17, %swap3A_18], %broadcast_in_dim3A_16 {strides = array<i32>} : memref<1x1x512xi32, #tpu.memory_space<vmem>>, vector<1x1x512xi32>,
    %reshape3A = vector.shape_cast %reduce_min3A_15 : vector<512xi32> to vector<16x32xi32>
    %broadcast_in_dim3A_20 = vector.shape_cast %reshape3A : vector<16x32xi32> to vector<16x32x1xi32>
    %broadcast_in_dim3A_21 = vector.shape_cast %reshape3A : vector<16x32xi32> to vector<16x1x32xi32>
    %eq3A_22 = vector.broadcast %broadcast_in_dim3A_20 : vector<16x32x1xi32> to vector<16x32x32xi32>
    %eq3A_23 = vector.broadcast %broadcast_in_dim3A_21 : vector<16x1x32xi32> to vector<16x32x32xi32>
    %eq3A_24 = arith.cmpi eq, %eq3A_22, %eq3A_23 : vector<16x32x32xi32>
    %iota3A_25 = tpu.iota {dimensions = array<i32: 1>} : vector<16x32x32xi32>
    %iota3A_26 = tpu.iota {dimensions = array<i32: 2>} : vector<16x32x32xi32>
    %lt3A = arith.cmpi slt, %iota3A_26, %iota3A_25 : vector<16x32x32xi32>
    %and3A = arith.andi %eq3A_24, %lt3A : vector<16x32x32xi1>
    %jit3A_27 = arith.constant 1.000000e+00 : f32
    %jit3A_28 = arith.constant 0.000000e+00 : f32
    %broadcast_in_dim3A_29 = vector.broadcast %jit3A_27 : f32 to vector<16x32x32xf32>
    %broadcast_in_dim3A_30 = vector.broadcast %jit3A_28 : f32 to vector<16x32x32xf32>
    %select_n3A_31 = arith.select %and3A, %broadcast_in_dim3A_29, %broadcast_in_dim3A_30 : vector<16x32x32xi1>, vector<16x32x32xf32>
    %reduce_max3A_32 = arith.constant dense<0xFF800000> : vector<16x32xf32>
    %reduce_max3A_33 = vector.multi_reduction <maximumf>, %select_n3A_31, %reduce_max3A_32 [2] : vector<16x32x32xf32> to vector<16x32xf32>
    %sub3A_34 = arith.constant 1.000000e+00 : f32
    %sub3A_35 = vector.broadcast %sub3A_34 : f32 to vector<16x32xf32>
    %sub3A_36 = arith.subf %sub3A_35, %reduce_max3A_33 : vector<16x32xf32>
    %reshape3A_37 = vector.shape_cast %sub3A_36 : vector<16x32xf32> to vector<1x1x512xf32>
    %swap3A_38 = arith.constant 0 : index
    %swap3A_39 = arith.constant 0 : index
    %swap3A_40 = arith.constant 0 : index
    %swap3A_41 = vector.load %arg4[%swap3A_38, %swap3A_39, %swap3A_40] : memref<1x1x512xf32, #tpu.memory_space<vmem>>, vector<1x1x512xf32>
    tpu.vector_store %arg4[%swap3A_38, %swap3A_39, %swap3A_40], %reshape3A_37 {strides = array<i32>} : memref<1x1x512xf32, #tpu.memory_space<vmem>>, vector<1x1x512xf32>,
    return
  }
  func.func @transform_0(%arg0: i32) -> (i32, i32) {
    %c0_i32 = arith.constant 0 : i32
    %c0_i32_0 = arith.constant 0 : i32
    return %arg0, %c0_i32 : i32, i32
  }
  func.func @transform_1(%arg0: i32) -> (i32, i32) {
    %c0_i32 = arith.constant 0 : i32
    %c0_i32_0 = arith.constant 0 : i32
    %c0_i32_1 = arith.constant 0 : i32
    return %c0_i32, %c0_i32_0 : i32, i32
  }
  func.func @transform_2(%arg0: i32) -> (i32, i32, i32) {
    %c0_i32 = arith.constant 0 : i32
    %c0_i32_0 = arith.constant 0 : i32
    %c0_i32_1 = arith.constant 0 : i32
    return %arg0, %c0_i32, %c0_i32_0 : i32, i32, i32
  }
  func.func @transform_3(%arg0: i32) -> (i32, i32, i32) {
    %c0_i32 = arith.constant 0 : i32
    %c0_i32_0 = arith.constant 0 : i32
    %c0_i32_1 = arith.constant 0 : i32
    return %arg0, %c0_i32, %c0_i32_0 : i32, i32, i32
  }
}

</mosaic_0001>

<sc_bundles>
// kernel: kernel.5.cloned.1.call-start
scs
__scs_entry_jumppad:
0x0: {  	(pc) =	sbr.rel $0x88, $3  }
0x1: {  	(tag) =	ssettag $0x0;
	lr =	simm.s32 $0x1  }
0x2: {  	[smem:$0x3F9F] =	sst lr;
	_ =	strace $0xD0000000  }
0x3: {  	_ = 	snop  }
0x4: {  	_ = 	snop  }
0x5: {  	_ = 	snop  }
0x6: {  	_ = 	snop  }
0x7: {  	_ = 	snop  }
__scs_overlays_trampoline_lowered:
0x8: {  	[smem:$0x3FAE] =	sst s0  }
0x9: {  	[smem:$0x3FAF] =	sst s1  }
0xa: {  	[smem:$0x3FB0] =	sst s2  }
0xb: {  	[smem:$0x3FB1] =	sst s3  }
0xc: {  	[smem:$0x3FB2] =	sst s4  }
0xd: {  	[smem:$0x3FB3] =	sst s5  }
0xe: {  	[smem:$0x3FB4] =	sst s6  }
0xf: {  	[smem:$0x3FB5] =	sst s7  }
0x10: {  	[smem:$0x3FB6] =	sst s8  }
0x11: {  	[smem:$0x3FB7] =	sst s9;
	s0 =	simm.s32 @!p0 $0x0  }
0x12: {  	s1 =	sld [smem:$0x3F9D];
	s0 =	simm.s32 @p0 $0x1  }
0x13: {  	[smem:$0x3FB8] =	sst s0;
	s0 =	simm.s32 @!p1 $0x0  }
0x14: {  	s2 =	sld [smem:$0x3F9C];
	s0 =	simm.s32 @p1 $0x1  }
0x15: {  	[smem:$0x3FB9] =	sst s0;
	s0 =	simm.s32 @!p2 $0x0  }
0x16: {  	s3 =	sld [smem:$0x3FDB];
	s0 =	simm.s32 @p2 $0x1  }
0x17: {  	s4 =	simm.s32 $0x1BF5;
	[smem:$0x3FBB] =	sst s0  }
0x18: {  	s0 =	sld [smem:$0x3F9E];
	_ =	swait.ge [sflag:s4], $0x0  }
0x19: {  	s7 =	sld [smem:$0x3F9F]  }
0x1a: {  	s8 =	sadd.s32 $0xFFFFE003, lr  }
0x1b: {  	s9 =	sadd.s32 $0xFFFFFEF7, lr;
	s5 =	simm.s32 $0xFFFFFFFF;
	p2 =	slt.u32 s8, $0xFFFFF086  }
0x1c: {  	p1 =	slt.u32 s9, $0xF7A;
	s5 =	simm.s32 @!p2 $0x0  }
0x1d: {  	s5 =	simm.s32 @p1 $0x1;
	p0 =	seq.s32 s7, s2  }
0x1e: {  	s7 =	smul.u32 @!p0 $0xF7A, s2;
	p2 =	seq.s32 @!p0 s5, $0x0  }
0x1f: {  	s9 =	smul.u32 $0xF7A, s1;
	s8 =	simm.s32 @!p0 $0x1BF5;
	p2 =	por !p2, p0  }
0x20: {  	[sflag:s8] =	ssyncset.s32 @!p0 $0xFFFFF086;
	s6 =	sadd.s32 @!p0 s3, s7;
	s7 =	simm.s32 @!p0 $0x108  }
0x21: {  	s3 =	sadd.s32 s3, s9;
	s6 =	sadd.s32 @!p0 $0x88, s6;
	s7 =	simm.s32 @p2 $0x1082  }
0x22: {  	[simem:s7], [sflag:s8] =	dma.local @!p0 [hbm:s6], $0xF7A  }
0x23: {  	s9 =	sor.u32 $0xD0000000, s2;
	s6 =	simm.s32 $0x108;
	_ =	swait.ge @!p0 [sflag:s8], $0x0  }
0x24: {  	s3 =	sadd.s32 $0x88, s3;
	s6 =	simm.s32 @!p1 $0x1082;
	[sflag:s4] =	ssyncset.s32 $0xFFFFF086  }
0x25: {  	[simem:s6], [sflag:s4] =	dma.local [hbm:s3], $0xF7A  }
0x26: {  	[smem:$0x3F9F] =	sst s1;
	(tag) =	ssettag s2;
	_ =	strace s9  }
0x27: {  	s1 =	sld [smem:$0x3FAF]  }
0x28: {  	s2 =	sld [smem:$0x3FB0]  }
0x29: {  	s4 =	sld [smem:$0x3FB2]  }
0x2a: {  	p0 =	seq.s32 s5, $0x0;
	s5 =	sld [smem:$0x3FB3]  }
0x2b: {  	s6 =	sld [smem:$0x3FB4]  }
0x2c: {  	s7 =	sld [smem:$0x3FB5]  }
0x2d: {  	s3 =	simm.s32 $0x108;
	s8 =	sld [smem:$0x3FB6]  }
0x2e: {  	s3 =	simm.s32 @!p0 $0x1082;
	s9 =	sld [smem:$0x3FB7]  }
0x2f: {  	lr =	sadd.s32 s0, s3;
	s0 =	sld [smem:$0x3FAE]  }
0x30: {  	s3 =	sld [smem:$0x3FB1]  }
0x31: {  	[smem:$0x3FBA] =	sst s10  }
0x32: {  	s10 =	sld [smem:$0x3FB8];
	_ =	sdelay $0x3  }
0x33: {  	p0 =	seq.s32 s10, $0x1;
	s10 =	sld [smem:$0x3FBA];
	_ =	sdelay $0x3  }
0x34: {  	[smem:$0x3FBA] =	sst s10  }
0x35: {  	s10 =	sld [smem:$0x3FB9];
	_ =	sdelay $0x3  }
0x36: {  	p1 =	seq.s32 s10, $0x1;
	s10 =	sld [smem:$0x3FBA];
	_ =	sdelay $0x3  }
0x37: {  	[smem:$0x3FBA] =	sst s10  }
0x38: {  	s10 =	sld [smem:$0x3FBB]  }
0x39: {  	_ = 	snop;
	(pc) =	sbr.ind lr, $3  }
0x3a: {  	_ = 	snop  }
0x3b: {  	_ = 	snop  }
0x3c: {  	p2 =	seq.s32 s10, $0x1;
	s10 =	sld [smem:$0x3FBA]  }
0x3d: {  	_ =	shalt  }
0x3e: {  	_ =	shalt  }
0x3f: {  	_ =	shalt  }
0x40: {  	_ =	shalt  }
0x41: {  	_ =	shalt  }
0x42: {  	_ =	shalt  }
0x43: {  	_ =	shalt  }
0x44: {  	_ =	shalt  }
0x45: {  	_ =	shalt  }
0x46: {  	_ =	shalt  }
0x47: {  	_ =	shalt  }
0x48: {  	_ =	shalt  }
0x49: {  	_ =	shalt  }
0x4a: {  	_ =	shalt  }
0x4b: {  	_ =	shalt  }
0x4c: {  	_ =	shalt  }
0x4d: {  	_ =	shalt  }
0x4e: {  	_ =	shalt  }
0x4f: {  	_ =	shalt  }
0x50: {  	_ =	shalt  }
0x51: {  	_ =	shalt  }
0x52: {  	_ =	shalt  }
0x53: {  	_ =	shalt  }
0x54: {  	_ =	shalt  }
0x55: {  	_ =	shalt  }
0x56: {  	_ =	shalt  }
0x57: {  	_ =	shalt  }
0x58: {  	_ =	shalt  }
0x59: {  	_ =	shalt  }
0x5a: {  	_ =	shalt  }
0x5b: {  	_ =	shalt  }
0x5c: {  	_ =	shalt  }
0x5d: {  	_ =	shalt  }
0x5e: {  	_ =	shalt  }
0x5f: {  	_ =	shalt  }
0x60: {  	_ =	shalt  }
0x61: {  	_ =	shalt  }
0x62: {  	_ =	shalt  }
0x63: {  	_ =	shalt  }
0x64: {  	_ =	shalt  }
0x65: {  	_ =	shalt  }
0x66: {  	_ =	shalt  }
0x67: {  	_ =	shalt  }
0x68: {  	_ =	shalt  }
0x69: {  	_ =	shalt  }
0x6a: {  	_ =	shalt  }
0x6b: {  	_ =	shalt  }
0x6c: {  	_ =	shalt  }
0x6d: {  	_ =	shalt  }
0x6e: {  	_ =	shalt  }
0x6f: {  	_ =	shalt  }
0x70: {  	_ =	shalt  }
0x71: {  	_ =	shalt  }
0x72: {  	_ =	shalt  }
0x73: {  	_ =	shalt  }
0x74: {  	_ =	shalt  }
0x75: {  	_ =	shalt  }
0x76: {  	_ =	shalt  }
0x77: {  	_ =	shalt  }
0x78: {  	_ =	shalt  }
0x79: {  	_ =	shalt  }
0x7a: {  	_ =	shalt  }
0x7b: {  	_ =	shalt  }
0x7c: {  	_ =	shalt  }
0x7d: {  	_ =	shalt  }
0x7e: {  	_ =	shalt  }
0x7f: {  	_ =	shalt  }
0x80: {  	_ =	shalt  }
0x81: {  	_ =	shalt  }
0x82: {  	_ =	shalt  }
0x83: {  	_ =	shalt  }
0x84: {  	_ =	shalt  }
0x85: {  	_ =	shalt  }
0x86: {  	_ =	shalt  }
0x87: {  	_ =	shalt  }
.Lfunc_end0:
.L_simem_size_0:
called_computation_lowered:
.L_overlay_start_0:
0x88: {  	s2 =	sld [smem:$0x3FD9]  }
0x89: {  	s3 =	sld [smem:$0x3FFE];
	_ =	sdelay $0x1  }
0x8a: {  	s1 =	srdreg.scid  }
0x8b: {  	s0 =	sand.u32 $0x1, s1  }
0x8c: {  	s16 =	sshll.u32 s0, $0xA;
	s2 =	sadd.s32 s3, s2  }
0x8d: {  	s2 =	sadd.s32 s2, s16  }
0x8e: {  	[smem:$0x3FC6] =	sst s2  }
0x8f: {  	_ = 	snop  }
0x90: {  	(tm) =	ssettm $0x1  }
0x91: {  	s17 =	sld [smem:$0x3FFB];
	_ =	sdelay $0x3  }
0x92: {  	_ =	strace s17  }
0x93: {  	s2 =	sld [smem:$0x3FFC];
	_ =	sdelay $0x3  }
0x94: {  	_ =	strace s2  }
0x95: {  	s2 =	sld [smem:$0x3FFD];
	_ =	sdelay $0x3  }
0x96: {  	_ =	strace s2  }
0x97: {  	_ =	strace $0x8FFFFFFF  }
0x98: {  	s18 =	sld [smem:$0x3FDB];
	_ =	sdelay $0x1  }
0x99: {  	s19 =	simm.s32 $_scs_section_size  }
0x9a: {  	s4 =	simm.s32 $_size__tile_overlayer_lowered;
	s5 =	simm.s32 $_tile_overlayer_lowered  }
0x9b: {  	s22 =	simm.s32 $0x1BFF;
	s21 =	sshll.u32 s5, $0x1;
	s2 =	sadd.s32 s19, s18  }
0x9c: {  	s6 =	simm.s32 $0x0;
	s20 =	sshll.u32 s4, $0x1;
	s4 =	sadd.s32 s21, s2  }
0x9d: {  	[timem:s6], [sflag:s22] =	dma.local [hbm:s4], s20  }
0x9e: {  	_ =	swait.ge [sflag:s22], s20  }
0x9f: {  	s3 =	ssub.s32 $0x0, s20;
	[sflag:s22] =	ssyncset.done $0x0  }
0xa0: {  	[sflag:s22] =	ssyncadd.s32 s3;
	_ =	sdelay $0x1  }
0xa1: {  	s23 =	simm.s32 $0x1B8B  }
0xa2: {  	_ =	swait.ge [sflag:s23], $0x1  }
0xa3: {  	[sflag:s23] =	ssyncset.done $0x0  }
0xa4: {  	s25 =	simm.s32 $0x1B8E;
	s24 =	sld [smem:$0x3FFE];
	[sflag:s23] =	ssyncadd.s32 $0xFFFFFFFF  }
0xa5: {  	s26 =	simm.s32 $execute0_lowered;
	[smem:$0x3FD2] =	sst s25  }
0xa6: {  	s4 =	sshll.u32 s26, $0x1;
	_ =	strace $0x80000046;
	[dreg:$0x1] =	wrdreg $0xFFFFFFFF  }
0xa7: {  	s28 =	simm.s32 $_size_execute0_lowered;
	s2 =	sadd.s32 s2, s4;
	[dreg:$0x0] =	wrdreg $0x0  }
0xa8: {  	s4 =	sshll.u32 s28, $0x1;
	[dreg:$0x2] =	wrdreg s2  }
0xa9: {  	[dreg:$0x3] =	wrdreg s4  }
0xaa: {  	[dreg:$0x4] =	wrdreg $0xC0  }
0xab: {  	_ =	task [dreg:s6], $0x5FFFF  }
0xac: {  	[dreg:$0x1] =	wrdreg $0xFFFFFFFF  }
0xad: {  	[dreg:$0x0] =	wrdreg $0x60  }
0xae: {  	[dreg:$0x2] =	wrdreg s24  }
0xaf: {  	[dreg:$0x3] =	wrdreg $0x2000  }
0xb0: {  	[dreg:$0x4] =	wrdreg $0x9  }
0xb1: {  	_ =	task.clear_ibuf [dreg:s6], $0x5FFFF;
	_ =	strace $0x90000046  }
0xb2: {  	s29 =	simm.s32 $0x9;
	_ =	strace $0x80000048  }
0xb3: {  	_ =	swait.ge [sflag:s29], $0x1  }
0xb4: {  	[sflag:s29] =	ssyncadd.s32 $0xFFFFFFFF  }
0xb5: {  	_ =	strace $0x90000048  }
0xb6: {  	_ =	sfence  }
0xb7: {  	s30 =	sld [smem:$0x0];
	_ =	sdelay $0x2  }
0xb8: {  	s31 =	sshll.u32 s1, $0xD;
	s1 =	sshrl.u32 s1, $0x2  }
0xb9: {  	s3 =	sand.u32 $0x4000, s31;
	s1 =	sadd.s32 s1, s30  }
0xba: {  	s0 =	sor.u32 s3, s0;
	s1 =	sshll.u32 s1, $0x11  }
0xbb: {  	s0 =	sor.u32 s1, s0  }
0xbc: {  	s0 =	sadd.s32 $0x8F2B, s0  }
0xbd: {  	[sflag:s0] =	ssyncadd.remote.s32 $0x1  }
0xbe: {  	_ =	sfence.sel $0xFFFF  }
0xbf: {  	[dreg:$0x0] =	wrdreg $0xFFFFFFFF;
	(pc) =	sbr.abs _section_cstart, $3  }
0xc0: {  	[dreg:$0x1] =	wrdreg $0xFFFFFFFF  }
0xc1: {  	_ =	task.clear_ibuf [dreg:s6], $0x2FFFF;
	_ =	strace $0x9FFFFFFF  }
0xc2: {  	(tm) =	ssettm $0x7FFFFFFF  }
0xc3: {  	_ =	shalt  }
tec
execute0_lowered:
.L_overlay_start_1:
0x0: {  	(tag) =	ssettag $0x1  }
0x1: {  	s0 =	rddreg [dreg:$0x0]  }
0x2: {  	s1 =	rddreg [dreg:$0x1];
	s2 =	srdreg.scid  }
0x3: {  	s3 =	rddreg [dreg:$0x2];
	s2 =	sand.u32 $0x1, s2  }
0x4: {  	s4 =	simm.s32 $0x0;
	s5 =	stileid.u32;
	p0 =	seq.s32 s2, $0x1  }
0x5: {  	[smem:$0x7FF] =	sst s4;
	s2 =	sadd.s32 $0x1000, s0;
	s4 =	sshll.u32 @!p0 s5, $0x5  }
0x6: {  	_ =	strace $0x80000047;
	s6 =	simm.s32 @!p0 $0x0;
	s2 =	sadd.s32 @!p0 s2, s4  }
0x7: {  	[tilespmem:s6], [sflag:$0x1] =	stream.linear.gather @!p0 [hbm4b:s2+s6], $0x100, $0x38;
	[tilespmem:$0x400] =	vst v63  }
0x8: {  	s2 =	simm.s32 @!p0 $0x1  }
0x9: {  	_ =	swait.ge @!p0 [sflag:s2], $0x100  }
0xa: {  	s7 =	sadd.s32 $0x1200, s0;
	s9 =	sshll.u32 @!p0 s5, $0x9;
	[sflag:s2] =	ssyncset.done @!p0 $0x0  }
0xb: {  	s4 =	sadd.s32 @!p0 s7, s4;
	s7 =	simm.s32 @!p0 $0x100;
	[sflag:s2] =	ssyncadd.s32 @!p0 $0xFFFFFF00  }
0xc: {  	[tilespmem:s7], [sflag:$0x1] =	stream.linear.gather @!p0 [hbm4b:s4+s6], $0x100, $0x38;
	[tilespmem:$0x400] =	vst v63  }
0xd: {  	s8 =	sadd.s32 $0x1400, s0;
	s9 =	sadd.s32 @!p0 s9, s1;
	_ =	swait.ge @!p0 [sflag:s2], $0x100  }
0xe: {  	s9 =	sshrl.u32 @!p0 s9, $0x3;
	s4 =	sshll.u32 @!p0 s5, $0x6;
	[sflag:s2] =	ssyncset.done @!p0 $0x0  }
0xf: {  	s8 =	sadd.s32 @!p0 s8, s4;
	s10 =	sor.u32 @!p0 $0x1C01, s4;
	[sflag:s2] =	ssyncadd.s32 @!p0 $0xFFFFFF00  }
0x10: {  	[spmem:s9], [sflag:s10] =	dma.local @!p0 [hbm:s8], $0x40  }
0x11: {  	_ =	swait.ge @!p0 [sflag:s2], $0x40  }
0x12: {  	[sflag:s2] =	ssyncset.done @!p0 $0x0  }
0x13: {  	[sflag:s2] =	ssyncadd.s32 @!p0 $0xFFFFFFC0  }
0x14: {  	[bflag:$0x0] =	sbarrier.arrive @!p0 $0xFFFF  }
0x15: {  	[spmem:s1] =	stream.indirect.scatter.add.f32 @!p0 [tilespmem:s7], [sflag:$0x1], $0x1, s6, s7, $0xb8;
	[tilespmem:$0x400] =	vst v63  }
0x16: {  	_ =	swait.ge @!p0 [sflag:s2], $0x100  }
0x17: {  	[sflag:s2] =	ssyncset.done @!p0 $0x0  }
0x18: {  	s0 =	sadd.s32 $0x1800, s0;
	[sflag:s2] =	ssyncadd.s32 @!p0 $0xFFFFFF00  }
0x19: {  	s0 =	sadd.s32 @!p0 s0, s4;
	[bflag:$0x0] =	sbarrier.arrive @!p0 $0xFFFF  }
0x1a: {  	[hbm:s0], [sflag:s10] =	dma.local @!p0 [spmem:s9], $0x40  }
0x1b: {  	_ =	swait.ge @!p0 [sflag:s2], $0x40  }
0x1c: {  	[sflag:s2] =	ssyncset.done @!p0 $0x0  }
0x1d: {  	[sflag:s2] =	ssyncadd.s32 @!p0 $0xFFFFFFC0  }
0x1e: {  	_ =	sfence.sel $0x180000  }
0x1f: {  	[bflag:$0x0] =	sbarrier.arrive $0xFFFF  }
0x20: {  	p0 =	sne.s32 s5, $0x0;
	_ =	strace $0x90000047  }
0x21: {  	s0 =	sadd.s32 @!p0 $0x100000, s3;
	[bflag:$0x2] =	sbarrier.arrive $0xFFFF  }
0x22: {  	[sflag:s0] =	ssyncadd.tile.s32 @!p0 $0x1;
	_ =	shalt  }
.Lfunc_end2:
_tile_overlayer_lowered:
.L_overlay_start_2:
0x23: {  	(tag) =	ssettag $0x2  }
0x24: {  	s0 =	rddreg [dreg:$0x0];
	s2 =	stileid.u32  }
0x25: {  	s1 =	rddreg [dreg:$0x1];
	p0 =	sne.s32 s2, $0x0  }
0x26: {  	s3 =	rddreg [dreg:$0x2];
	[bflag:$0x3] =	sbarrier.arrive $0xFFFF;
	s2 =	simm.s32 @!p0 $0x1C01  }
0x27: {  	[timem:s3], [sflag:s2] =	dma.local @!p0 [hbm:s0], s1  }
0x28: {  	s0 =	simm.s32 @!p0 $0x1  }
0x29: {  	_ =	swait.ge @!p0 [sflag:s0], s1  }
0x2a: {  	s1 =	ssub.s32 @!p0 $0x0, s1;
	[sflag:s0] =	ssyncset.done @!p0 $0x0  }
0x2b: {  	[sflag:s0] =	ssyncadd.s32 @!p0 s1  }
0x2c: {  	[bflag:$0x3] =	sbarrier.arrive $0xFFFF  }
0x2d: {  	_ =	shalt  }

</sc_bundles>
